<compile_context>
chip_gen: v7x
topology: tpu7x:2x2x1
jax: 0.10.2.dev20260603
libtpu: 0.0.44.dev20260713+nightly
codegen_flags: <defaults>
</compile_context>

<pallas_src>
import functools

import jax
import jax.numpy as jnp
from jax import lax
from jax.experimental import pallas as pl
from jax.experimental.pallas import tpu as pltpu
from jax.experimental.pallas import tpu_sc as plsc

N_NODES = 10000
D = 128
N_PAD = 10240
CHUNK = 128
N_SUBCORES = 16
STRIPE = N_PAD // N_SUBCORES


def _make_sc_agg(e_pad: int):
    e_per_tile = e_pad // N_SUBCORES
    n_chunks = e_per_tile // CHUNK
    mesh = plsc.VectorSubcoreMesh(core_axis_name="c", subcore_axis_name="s")

    @functools.partial(
        pl.kernel,
        out_type=[
            jax.ShapeDtypeStruct((2, N_PAD, D), jnp.float32),
            jax.ShapeDtypeStruct((2, N_PAD), jnp.float32),
        ],
        mesh=mesh,
        scratch_types=[
            pltpu.VMEM_SHARED((N_PAD, D), jnp.float32),
            pltpu.VMEM_SHARED((N_PAD,), jnp.float32),
            pltpu.VMEM((CHUNK,), jnp.int32),
            pltpu.VMEM((CHUNK,), jnp.int32),
            pltpu.VMEM((CHUNK, D), jnp.float32),
            pltpu.VMEM((CHUNK,), jnp.float32),
            pltpu.SemaphoreType.DMA,
        ],
    )
    def sc_agg(edges_hbm, x_hbm, zeros_hbm, ones_hbm,
               sums_hbm, cnts_hbm,
               acc, cacc, src_v, dst_v, rows_v, ones_v, sem):
        c = lax.axis_index("c")
        s = lax.axis_index("s")

        pltpu.sync_copy(zeros_hbm.at[pl.ds(s * STRIPE, STRIPE)],
                        acc.at[pl.ds(s * STRIPE, STRIPE)])
        for k in range(STRIPE // D):
            pltpu.sync_copy(zeros_hbm.at[0],
                            cacc.at[pl.ds(s * STRIPE + k * D, D)])
        pltpu.sync_copy(ones_hbm, ones_v)
        plsc.subcore_barrier()

        @pl.loop(0, n_chunks)
        def _chunks(j):
            base = s * e_per_tile + j * CHUNK
            pltpu.sync_copy(edges_hbm.at[c, 0, pl.ds(base, CHUNK)], src_v)
            pltpu.sync_copy(edges_hbm.at[c, 1, pl.ds(base, CHUNK)], dst_v)
            pltpu.async_copy(x_hbm.at[src_v], rows_v, sem).wait()
            pltpu.sync_copy(rows_v, acc.at[dst_v], add=True)
            pltpu.sync_copy(ones_v, cacc.at[dst_v], add=True)

        plsc.subcore_barrier()
        pltpu.sync_copy(acc.at[pl.ds(s * STRIPE, STRIPE)],
                        sums_hbm.at[c, pl.ds(s * STRIPE, STRIPE)])
        pltpu.sync_copy(cacc.at[pl.ds(s * STRIPE, STRIPE)],
                        cnts_hbm.at[c, pl.ds(s * STRIPE, STRIPE)])

    return sc_agg


def _mlp_body(x_ref, sp_ref, cp_ref, sn_ref, cn_ref,
              wp_ref, bp_ref, wn_ref, bn_ref, out_ref):
    x = x_ref[...]
    ap = sp_ref[0] / jnp.maximum(cp_ref[0], 1.0)
    an = sn_ref[0] / jnp.maximum(cn_ref[0], 1.0)
    hp = jnp.tanh(
        jnp.dot(jnp.concatenate([ap, x], axis=1), wp_ref[...],
                preferred_element_type=jnp.float32) + bp_ref[...])
    hn = jnp.tanh(
        jnp.dot(jnp.concatenate([an, x], axis=1), wn_ref[...],
                preferred_element_type=jnp.float32) + bn_ref[...])
    out_ref[...] = jnp.concatenate([hp, hn], axis=1)


def kernel(X, W_pos, b_pos, W_neg, b_neg, positive_edges, negative_edges):
    n = X.shape[0]
    e = positive_edges.shape[1]
    e_pad = -(-e // (N_SUBCORES * CHUNK)) * (N_SUBCORES * CHUNK)

    def prep(edges):
        ed = edges.astype(jnp.int32)
        pad = e_pad - e
        src = jnp.concatenate([ed[0], jnp.zeros((pad,), jnp.int32)])
        dst = jnp.concatenate([ed[1], jnp.full((pad,), n, jnp.int32)])
        return jnp.stack([src, dst])

    edges_all = jnp.stack([prep(positive_edges), prep(negative_edges)])
    zeros = jnp.zeros((N_PAD, D), jnp.float32)
    ones = jnp.ones((CHUNK,), jnp.float32)

    sums, cnts = _make_sc_agg(e_pad)(edges_all, X, zeros, ones)
    cnts = cnts.reshape(2, N_PAD, 1)

    blk = 1000
    grid = (n // blk,)
    out = pl.pallas_call(
        _mlp_body,
        grid=grid,
        in_specs=[
            pl.BlockSpec((blk, D), lambda i: (i, 0)),
            pl.BlockSpec((1, blk, D), lambda i: (0, i, 0)),
            pl.BlockSpec((1, blk, 1), lambda i: (0, i, 0)),
            pl.BlockSpec((1, blk, D), lambda i: (1, i, 0)),
            pl.BlockSpec((1, blk, 1), lambda i: (1, i, 0)),
            pl.BlockSpec((2 * D, D), lambda i: (0, 0)),
            pl.BlockSpec((1, D), lambda i: (0, 0)),
            pl.BlockSpec((2 * D, D), lambda i: (0, 0)),
            pl.BlockSpec((1, D), lambda i: (0, 0)),
        ],
        out_specs=pl.BlockSpec((blk, 2 * D), lambda i: (i, 0)),
        out_shape=jax.ShapeDtypeStruct((n, 2 * D), jnp.float32),
    )(X, sums, cnts, sums, cnts, W_pos, b_pos.reshape(1, D),
      W_neg, b_neg.reshape(1, D))
    return out

# --- scband reference (transcript-rebuilt; emitter-appended) ---
"""Pipeline reference for scband-sgr-37211596652846 (READ-ONLY COPY).

The authoritative reference and input builder live on the scoring server;
editing this copy changes nothing except your own understanding.
"""

import jax, jax.numpy as jnp
import numpy as np

N_NODES = 10000
D = 128
E_POS = 160000
E_NEG = 160000

def setup_inputs(seed: int = 0) -> dict:
    key = jax.random.key(seed)
    k1, k2, k3, k4, k5, k6, k7 = jax.random.split(key, 7)
    X = jax.random.normal(k1, (N_NODES, D), dtype=jnp.float32)
    positive_edges = jax.random.randint(k2, (2, E_POS), 0, N_NODES, dtype=jnp.int64)
    negative_edges = jax.random.randint(k3, (2, E_NEG), 0, N_NODES, dtype=jnp.int64)
    # Signed GCN base-aggregation layer params: balanced (pos) and unbalanced (neg) paths.
    # Each consumes concat([aggregated_neighbors, X]) -> [2D] and outputs [D].
    scale = 1.0 / np.sqrt(2 * D)
    W_pos = jax.random.normal(k4, (2 * D, D), dtype=jnp.float32) * scale
    b_pos = jnp.zeros((D,), dtype=jnp.float32)
    W_neg = jax.random.normal(k5, (2 * D, D), dtype=jnp.float32) * scale
    b_neg = jnp.zeros((D,), dtype=jnp.float32)
    return {"X": X, "W_pos": W_pos, "b_pos": b_pos, "W_neg": W_neg, "b_neg": b_neg,
            "positive_edges": positive_edges, "negative_edges": negative_edges}

def _mean_aggregate(X, edges, n_nodes):
    src = edges[0]
    dst = edges[1]
    gathered = jnp.take(X, src, axis=0)                      # gather (SparseCore)
    summed = jax.ops.segment_sum(gathered, dst, num_segments=n_nodes)  # scatter-add
    counts = jax.ops.segment_sum(jnp.ones((edges.shape[1],), dtype=X.dtype), dst, num_segments=n_nodes)
    counts = jnp.clip(counts, 1.0, None)
    return summed / counts[:, None]

def reference(X, W_pos, b_pos, W_neg, b_neg, positive_edges, negative_edges):
    n_nodes = X.shape[0]
    agg_pos = _mean_aggregate(X, positive_edges, n_nodes)
    agg_neg = _mean_aggregate(X, negative_edges, n_nodes)
    h_pos = jnp.tanh(jnp.concatenate([agg_pos, X], axis=1) @ W_pos + b_pos)
    h_neg = jnp.tanh(jnp.concatenate([agg_neg, X], axis=1) @ W_neg + b_neg)
    return jnp.concatenate([h_pos, h_neg], axis=1)

if __name__ == "__main__":
    import jax
    _d = setup_inputs()
    print(jax.jit(kernel)(*tuple(_d.values())))

</pallas_src>

<mosaic_0001>
#map = affine_map<(d0, d1) -> (0, 0, 0)>
#map1 = affine_map<(d0, d1) -> (0, 0)>
#map2 = affine_map<(d0, d1) -> (0)>
module attributes {stable_mosaic.version = 14 : i64} {
  func.func @sc_agg(%arg0: i32, %arg1: i32, %arg2: memref<2x2x161792xi32, #tpu.memory_space<hbm>>, %arg3: memref<10000x128xf32, #tpu.memory_space<hbm>>, %arg4: memref<10240x128xf32, #tpu.memory_space<hbm>>, %arg5: memref<128xf32, #tpu.memory_space<hbm>>, %arg6: memref<2x10240x128xf32, #tpu.memory_space<hbm>>, %arg7: memref<2x10240xf32, #tpu.memory_space<hbm>>, %arg8: memref<10240x128xf32, #tpu.memory_space<vmem_shared>>, %arg9: memref<10240xf32, #tpu.memory_space<vmem_shared>>, %arg10: memref<128xi32, #tpu.memory_space<vmem>>, %arg11: memref<128xi32, #tpu.memory_space<vmem>>, %arg12: memref<128x128xf32, #tpu.memory_space<vmem>>, %arg13: memref<128xf32, #tpu.memory_space<vmem>>, %arg14: memref<!tpu.dma_semaphore, #tpu.memory_space<semaphore_mem>>) attributes {dimension_semantics = [#tpu.dimension_semantics<core_parallel>, #tpu.dimension_semantics<subcore_parallel>], iteration_bounds = array<i64: 2, 16>, scalar_prefetch = 0 : i64, scratch_operands = 7 : i64, tpu.core_type = #tpu.core_type<sc_vector_subcore>, window_params = [{transform_indices = #map}, {transform_indices = #map1}, {transform_indices = #map1}, {transform_indices = #map2}, {transform_indices = #map}, {transform_indices = #map1}]} {
    %mul3A = arith.constant 640 : i32
    %mul3A_0 = arith.muli %arg1, %mul3A : i32
    %mul3A_1 = arith.constant 640 : i32
    %mul3A_2 = arith.muli %arg1, %mul3A_1 : i32
    "tpu.region"() ({
      %run_scoped3A_39 = tpu.sem_alloc : memref<!tpu.dma_semaphore, #tpu.memory_space<semaphore_mem>>
      %dma_start3A = arith.constant 0 : i32
      %dma_start3A_40 = tpu.memref_slice %arg8[%mul3A_2, %dma_start3A] : memref<10240x128xf32, #tpu.memory_space<vmem_shared>> -> memref<640x128xf32, #tpu.memory_space<vmem_shared>>
      %dma_start3A_41 = arith.constant 0 : i32
      %dma_start3A_42 = tpu.memref_slice %arg4[%mul3A_0, %dma_start3A_41] : memref<10240x128xf32, #tpu.memory_space<hbm>> -> memref<640x128xf32, #tpu.memory_space<hbm>>
      tpu.enqueue_dma source(%dma_start3A_42 : memref<640x128xf32, #tpu.memory_space<hbm>>) target(%dma_start3A_40 : memref<640x128xf32, #tpu.memory_space<vmem_shared>>) target_semaphore(%run_scoped3A_39 : memref<!tpu.dma_semaphore, #tpu.memory_space<semaphore_mem>>)
      %dma_wait3A = arith.constant 0 : i32
      %dma_wait3A_43 = tpu.memref_slice %arg8[%mul3A_2, %dma_wait3A] : memref<10240x128xf32, #tpu.memory_space<vmem_shared>> -> memref<640x128xf32, #tpu.memory_space<vmem_shared>>
      %dma_wait3A_44 = arith.constant 0 : i32
      %dma_wait3A_45 = tpu.memref_slice %arg4[%mul3A_0, %dma_wait3A_44] : memref<10240x128xf32, #tpu.memory_space<hbm>> -> memref<640x128xf32, #tpu.memory_space<hbm>>
      tpu.wait_dma2 semaphore(%run_scoped3A_39 : memref<!tpu.dma_semaphore, #tpu.memory_space<semaphore_mem>>) src(%dma_wait3A_45 : memref<640x128xf32, #tpu.memory_space<hbm>>) dst(%dma_wait3A_43 : memref<640x128xf32, #tpu.memory_space<vmem_shared>>)
      tpu.yield
    }) : () -> ()
    %mul3A_3 = arith.constant 640 : i32
    %mul3A_4 = arith.muli %arg1, %mul3A_3 : i32
    %add3A = arith.constant 0 : i32
    %add3A_5 = arith.addi %mul3A_4, %add3A : i32
    %run_scoped3A = arith.constant 0 : i32
    "tpu.region"() ({
      %run_scoped3A_39 = tpu.sem_alloc : memref<!tpu.dma_semaphore, #tpu.memory_space<semaphore_mem>>
      %dma_start3A = tpu.memref_slice %arg9[%add3A_5] : memref<10240xf32, #tpu.memory_space<vmem_shared>> -> memref<128xf32, #tpu.memory_space<vmem_shared>>
      %dma_start3A_40 = arith.constant 0 : i32
      %dma_start3A_41 = tpu.memref_slice %arg4[%run_scoped3A, %dma_start3A_40] : memref<10240x128xf32, #tpu.memory_space<hbm>> -> memref<1x128xf32, #tpu.memory_space<hbm>>
      %dma_start3A_42 = tpu.memref_squeeze %dma_start3A_41 : memref<1x128xf32, #tpu.memory_space<hbm>> -> memref<128xf32, #tpu.memory_space<hbm>>
      tpu.enqueue_dma source(%dma_start3A_42 : memref<128xf32, #tpu.memory_space<hbm>>) target(%dma_start3A : memref<128xf32, #tpu.memory_space<vmem_shared>>) target_semaphore(%run_scoped3A_39 : memref<!tpu.dma_semaphore, #tpu.memory_space<semaphore_mem>>)
      %dma_wait3A = tpu.memref_slice %arg9[%add3A_5] : memref<10240xf32, #tpu.memory_space<vmem_shared>> -> memref<128xf32, #tpu.memory_space<vmem_shared>>
      %dma_wait3A_43 = arith.constant 0 : i32
      %dma_wait3A_44 = tpu.memref_slice %arg4[%run_scoped3A, %dma_wait3A_43] : memref<10240x128xf32, #tpu.memory_space<hbm>> -> memref<1x128xf32, #tpu.memory_space<hbm>>
      %dma_wait3A_45 = tpu.memref_squeeze %dma_wait3A_44 : memref<1x128xf32, #tpu.memory_space<hbm>> -> memref<128xf32, #tpu.memory_space<hbm>>
      tpu.wait_dma2 semaphore(%run_scoped3A_39 : memref<!tpu.dma_semaphore, #tpu.memory_space<semaphore_mem>>) src(%dma_wait3A_45 : memref<128xf32, #tpu.memory_space<hbm>>) dst(%dma_wait3A : memref<128xf32, #tpu.memory_space<vmem_shared>>)
      tpu.yield
    }) : () -> ()
    %mul3A_6 = arith.constant 640 : i32
    %mul3A_7 = arith.muli %arg1, %mul3A_6 : i32
    %add3A_8 = arith.constant 128 : i32
    %add3A_9 = arith.addi %mul3A_7, %add3A_8 : i32
    %run_scoped3A_10 = arith.constant 0 : i32
    "tpu.region"() ({
      %run_scoped3A_39 = tpu.sem_alloc : memref<!tpu.dma_semaphore, #tpu.memory_space<semaphore_mem>>
      %dma_start3A = tpu.memref_slice %arg9[%add3A_9] : memref<10240xf32, #tpu.memory_space<vmem_shared>> -> memref<128xf32, #tpu.memory_space<vmem_shared>>
      %dma_start3A_40 = arith.constant 0 : i32
      %dma_start3A_41 = tpu.memref_slice %arg4[%run_scoped3A_10, %dma_start3A_40] : memref<10240x128xf32, #tpu.memory_space<hbm>> -> memref<1x128xf32, #tpu.memory_space<hbm>>
      %dma_start3A_42 = tpu.memref_squeeze %dma_start3A_41 : memref<1x128xf32, #tpu.memory_space<hbm>> -> memref<128xf32, #tpu.memory_space<hbm>>
      tpu.enqueue_dma source(%dma_start3A_42 : memref<128xf32, #tpu.memory_space<hbm>>) target(%dma_start3A : memref<128xf32, #tpu.memory_space<vmem_shared>>) target_semaphore(%run_scoped3A_39 : memref<!tpu.dma_semaphore, #tpu.memory_space<semaphore_mem>>)
      %dma_wait3A = tpu.memref_slice %arg9[%add3A_9] : memref<10240xf32, #tpu.memory_space<vmem_shared>> -> memref<128xf32, #tpu.memory_space<vmem_shared>>
      %dma_wait3A_43 = arith.constant 0 : i32
      %dma_wait3A_44 = tpu.memref_slice %arg4[%run_scoped3A_10, %dma_wait3A_43] : memref<10240x128xf32, #tpu.memory_space<hbm>> -> memref<1x128xf32, #tpu.memory_space<hbm>>
      %dma_wait3A_45 = tpu.memref_squeeze %dma_wait3A_44 : memref<1x128xf32, #tpu.memory_space<hbm>> -> memref<128xf32, #tpu.memory_space<hbm>>
      tpu.wait_dma2 semaphore(%run_scoped3A_39 : memref<!tpu.dma_semaphore, #tpu.memory_space<semaphore_mem>>) src(%dma_wait3A_45 : memref<128xf32, #tpu.memory_space<hbm>>) dst(%dma_wait3A : memref<128xf32, #tpu.memory_space<vmem_shared>>)
      tpu.yield
    }) : () -> ()
    %mul3A_11 = arith.constant 640 : i32
    %mul3A_12 = arith.muli %arg1, %mul3A_11 : i32
    %add3A_13 = arith.constant 256 : i32
    %add3A_14 = arith.addi %mul3A_12, %add3A_13 : i32
    %run_scoped3A_15 = arith.constant 0 : i32
    "tpu.region"() ({
      %run_scoped3A_39 = tpu.sem_alloc : memref<!tpu.dma_semaphore, #tpu.memory_space<semaphore_mem>>
      %dma_start3A = tpu.memref_slice %arg9[%add3A_14] : memref<10240xf32, #tpu.memory_space<vmem_shared>> -> memref<128xf32, #tpu.memory_space<vmem_shared>>
      %dma_start3A_40 = arith.constant 0 : i32
      %dma_start3A_41 = tpu.memref_slice %arg4[%run_scoped3A_15, %dma_start3A_40] : memref<10240x128xf32, #tpu.memory_space<hbm>> -> memref<1x128xf32, #tpu.memory_space<hbm>>
      %dma_start3A_42 = tpu.memref_squeeze %dma_start3A_41 : memref<1x128xf32, #tpu.memory_space<hbm>> -> memref<128xf32, #tpu.memory_space<hbm>>
      tpu.enqueue_dma source(%dma_start3A_42 : memref<128xf32, #tpu.memory_space<hbm>>) target(%dma_start3A : memref<128xf32, #tpu.memory_space<vmem_shared>>) target_semaphore(%run_scoped3A_39 : memref<!tpu.dma_semaphore, #tpu.memory_space<semaphore_mem>>)
      %dma_wait3A = tpu.memref_slice %arg9[%add3A_14] : memref<10240xf32, #tpu.memory_space<vmem_shared>> -> memref<128xf32, #tpu.memory_space<vmem_shared>>
      %dma_wait3A_43 = arith.constant 0 : i32
      %dma_wait3A_44 = tpu.memref_slice %arg4[%run_scoped3A_15, %dma_wait3A_43] : memref<10240x128xf32, #tpu.memory_space<hbm>> -> memref<1x128xf32, #tpu.memory_space<hbm>>
      %dma_wait3A_45 = tpu.memref_squeeze %dma_wait3A_44 : memref<1x128xf32, #tpu.memory_space<hbm>> -> memref<128xf32, #tpu.memory_space<hbm>>
      tpu.wait_dma2 semaphore(%run_scoped3A_39 : memref<!tpu.dma_semaphore, #tpu.memory_space<semaphore_mem>>) src(%dma_wait3A_45 : memref<128xf32, #tpu.memory_space<hbm>>) dst(%dma_wait3A : memref<128xf32, #tpu.memory_space<vmem_shared>>)
      tpu.yield
    }) : () -> ()
    %mul3A_16 = arith.constant 640 : i32
    %mul3A_17 = arith.muli %arg1, %mul3A_16 : i32
    %add3A_18 = arith.constant 384 : i32
    %add3A_19 = arith.addi %mul3A_17, %add3A_18 : i32
    %run_scoped3A_20 = arith.constant 0 : i32
    "tpu.region"() ({
      %run_scoped3A_39 = tpu.sem_alloc : memref<!tpu.dma_semaphore, #tpu.memory_space<semaphore_mem>>
      %dma_start3A = tpu.memref_slice %arg9[%add3A_19] : memref<10240xf32, #tpu.memory_space<vmem_shared>> -> memref<128xf32, #tpu.memory_space<vmem_shared>>
      %dma_start3A_40 = arith.constant 0 : i32
      %dma_start3A_41 = tpu.memref_slice %arg4[%run_scoped3A_20, %dma_start3A_40] : memref<10240x128xf32, #tpu.memory_space<hbm>> -> memref<1x128xf32, #tpu.memory_space<hbm>>
      %dma_start3A_42 = tpu.memref_squeeze %dma_start3A_41 : memref<1x128xf32, #tpu.memory_space<hbm>> -> memref<128xf32, #tpu.memory_space<hbm>>
      tpu.enqueue_dma source(%dma_start3A_42 : memref<128xf32, #tpu.memory_space<hbm>>) target(%dma_start3A : memref<128xf32, #tpu.memory_space<vmem_shared>>) target_semaphore(%run_scoped3A_39 : memref<!tpu.dma_semaphore, #tpu.memory_space<semaphore_mem>>)
      %dma_wait3A = tpu.memref_slice %arg9[%add3A_19] : memref<10240xf32, #tpu.memory_space<vmem_shared>> -> memref<128xf32, #tpu.memory_space<vmem_shared>>
      %dma_wait3A_43 = arith.constant 0 : i32
      %dma_wait3A_44 = tpu.memref_slice %arg4[%run_scoped3A_20, %dma_wait3A_43] : memref<10240x128xf32, #tpu.memory_space<hbm>> -> memref<1x128xf32, #tpu.memory_space<hbm>>
      %dma_wait3A_45 = tpu.memref_squeeze %dma_wait3A_44 : memref<1x128xf32, #tpu.memory_space<hbm>> -> memref<128xf32, #tpu.memory_space<hbm>>
      tpu.wait_dma2 semaphore(%run_scoped3A_39 : memref<!tpu.dma_semaphore, #tpu.memory_space<semaphore_mem>>) src(%dma_wait3A_45 : memref<128xf32, #tpu.memory_space<hbm>>) dst(%dma_wait3A : memref<128xf32, #tpu.memory_space<vmem_shared>>)
      tpu.yield
    }) : () -> ()
    %mul3A_21 = arith.constant 640 : i32
    %mul3A_22 = arith.muli %arg1, %mul3A_21 : i32
    %add3A_23 = arith.constant 512 : i32
    %add3A_24 = arith.addi %mul3A_22, %add3A_23 : i32
    %run_scoped3A_25 = arith.constant 0 : i32
    "tpu.region"() ({
      %run_scoped3A_39 = tpu.sem_alloc : memref<!tpu.dma_semaphore, #tpu.memory_space<semaphore_mem>>
      %dma_start3A = tpu.memref_slice %arg9[%add3A_24] : memref<10240xf32, #tpu.memory_space<vmem_shared>> -> memref<128xf32, #tpu.memory_space<vmem_shared>>
      %dma_start3A_40 = arith.constant 0 : i32
      %dma_start3A_41 = tpu.memref_slice %arg4[%run_scoped3A_25, %dma_start3A_40] : memref<10240x128xf32, #tpu.memory_space<hbm>> -> memref<1x128xf32, #tpu.memory_space<hbm>>
      %dma_start3A_42 = tpu.memref_squeeze %dma_start3A_41 : memref<1x128xf32, #tpu.memory_space<hbm>> -> memref<128xf32, #tpu.memory_space<hbm>>
      tpu.enqueue_dma source(%dma_start3A_42 : memref<128xf32, #tpu.memory_space<hbm>>) target(%dma_start3A : memref<128xf32, #tpu.memory_space<vmem_shared>>) target_semaphore(%run_scoped3A_39 : memref<!tpu.dma_semaphore, #tpu.memory_space<semaphore_mem>>)
      %dma_wait3A = tpu.memref_slice %arg9[%add3A_24] : memref<10240xf32, #tpu.memory_space<vmem_shared>> -> memref<128xf32, #tpu.memory_space<vmem_shared>>
      %dma_wait3A_43 = arith.constant 0 : i32
      %dma_wait3A_44 = tpu.memref_slice %arg4[%run_scoped3A_25, %dma_wait3A_43] : memref<10240x128xf32, #tpu.memory_space<hbm>> -> memref<1x128xf32, #tpu.memory_space<hbm>>
      %dma_wait3A_45 = tpu.memref_squeeze %dma_wait3A_44 : memref<1x128xf32, #tpu.memory_space<hbm>> -> memref<128xf32, #tpu.memory_space<hbm>>
      tpu.wait_dma2 semaphore(%run_scoped3A_39 : memref<!tpu.dma_semaphore, #tpu.memory_space<semaphore_mem>>) src(%dma_wait3A_45 : memref<128xf32, #tpu.memory_space<hbm>>) dst(%dma_wait3A : memref<128xf32, #tpu.memory_space<vmem_shared>>)
      tpu.yield
    }) : () -> ()
    "tpu.region"() ({
      %run_scoped3A_39 = tpu.sem_alloc : memref<!tpu.dma_semaphore, #tpu.memory_space<semaphore_mem>>
      tpu.enqueue_dma source(%arg5 : memref<128xf32, #tpu.memory_space<hbm>>) target(%arg13 : memref<128xf32, #tpu.memory_space<vmem>>) target_semaphore(%run_scoped3A_39 : memref<!tpu.dma_semaphore, #tpu.memory_space<semaphore_mem>>)
      tpu.wait_dma2 semaphore(%run_scoped3A_39 : memref<!tpu.dma_semaphore, #tpu.memory_space<semaphore_mem>>) src(%arg5 : memref<128xf32, #tpu.memory_space<hbm>>) dst(%arg13 : memref<128xf32, #tpu.memory_space<vmem>>)
      tpu.yield
    }) : () -> ()
    %barrier3A = arith.constant 0 : index
    tpu.barrier barrier_id(%barrier3A)
    %scan3A = arith.constant 0 : i32
    %scan3A_26 = arith.constant 79 : i32
    %scan3A_27 = arith.addi %scan3A, %scan3A_26 : i32
    %scan3A_28 = arith.constant 1 : i32
    scf.for %scan3A_39 = %scan3A to %scan3A_27 step %scan3A_28  : i32 {
      %mul3A_40 = arith.constant 1 : i32
      %mul3A_41 = arith.muli %scan3A_39, %mul3A_40 : i32
      %add3A_42 = arith.constant 0 : i32
      %add3A_43 = arith.addi %add3A_42, %mul3A_41 : i32
      %mul3A_44 = arith.constant 10112 : i32
      %mul3A_45 = arith.muli %arg1, %mul3A_44 : i32
      %mul3A_46 = arith.constant 128 : i32
      %mul3A_47 = arith.muli %add3A_43, %mul3A_46 : i32
      %add3A_48 = arith.addi %mul3A_45, %mul3A_47 : i32
      %run_scoped3A_49 = arith.constant 0 : i32
      "tpu.region"() ({
        %run_scoped3A_55 = tpu.sem_alloc : memref<!tpu.dma_semaphore, #tpu.memory_space<semaphore_mem>>
        %dma_start3A_56 = tpu.memref_slice %arg2[%arg0, %run_scoped3A_49, %add3A_48] : memref<2x2x161792xi32, #tpu.memory_space<hbm>> -> memref<1x1x128xi32, #tpu.memory_space<hbm>>
        %dma_start3A_57 = tpu.memref_squeeze %dma_start3A_56 : memref<1x1x128xi32, #tpu.memory_space<hbm>> -> memref<128xi32, #tpu.memory_space<hbm>>
        %dma_start3A_58 = tpu.memref_slice %arg2[%arg0, %run_scoped3A_49, %add3A_48] : memref<2x2x161792xi32, #tpu.memory_space<hbm>> -> memref<1x1x128xi32, #tpu.memory_space<hbm>>
        %dma_start3A_59 = tpu.memref_squeeze %dma_start3A_58 : memref<1x1x128xi32, #tpu.memory_space<hbm>> -> memref<128xi32, #tpu.memory_space<hbm>>
        tpu.enqueue_dma source(%dma_start3A_59 : memref<128xi32, #tpu.memory_space<hbm>>) target(%arg10 : memref<128xi32, #tpu.memory_space<vmem>>) target_semaphore(%run_scoped3A_55 : memref<!tpu.dma_semaphore, #tpu.memory_space<semaphore_mem>>)
        %dma_wait3A_60 = tpu.memref_slice %arg2[%arg0, %run_scoped3A_49, %add3A_48] : memref<2x2x161792xi32, #tpu.memory_space<hbm>> -> memref<1x1x128xi32, #tpu.memory_space<hbm>>
        %dma_wait3A_61 = tpu.memref_squeeze %dma_wait3A_60 : memref<1x1x128xi32, #tpu.memory_space<hbm>> -> memref<128xi32, #tpu.memory_space<hbm>>
        %dma_wait3A_62 = tpu.memref_slice %arg2[%arg0, %run_scoped3A_49, %add3A_48] : memref<2x2x161792xi32, #tpu.memory_space<hbm>> -> memref<1x1x128xi32, #tpu.memory_space<hbm>>
        %dma_wait3A_63 = tpu.memref_squeeze %dma_wait3A_62 : memref<1x1x128xi32, #tpu.memory_space<hbm>> -> memref<128xi32, #tpu.memory_space<hbm>>
        tpu.wait_dma2 semaphore(%run_scoped3A_55 : memref<!tpu.dma_semaphore, #tpu.memory_space<semaphore_mem>>) src(%dma_wait3A_63 : memref<128xi32, #tpu.memory_space<hbm>>) dst(%arg10 : memref<128xi32, #tpu.memory_space<vmem>>)
        tpu.yield
      }) : () -> ()
      %run_scoped3A_50 = arith.constant 1 : i32
      "tpu.region"() ({
        %run_scoped3A_55 = tpu.sem_alloc : memref<!tpu.dma_semaphore, #tpu.memory_space<semaphore_mem>>
        %dma_start3A_56 = tpu.memref_slice %arg2[%arg0, %run_scoped3A_50, %add3A_48] : memref<2x2x161792xi32, #tpu.memory_space<hbm>> -> memref<1x1x128xi32, #tpu.memory_space<hbm>>
        %dma_start3A_57 = tpu.memref_squeeze %dma_start3A_56 : memref<1x1x128xi32, #tpu.memory_space<hbm>> -> memref<128xi32, #tpu.memory_space<hbm>>
        %dma_start3A_58 = tpu.memref_slice %arg2[%arg0, %run_scoped3A_50, %add3A_48] : memref<2x2x161792xi32, #tpu.memory_space<hbm>> -> memref<1x1x128xi32, #tpu.memory_space<hbm>>
        %dma_start3A_59 = tpu.memref_squeeze %dma_start3A_58 : memref<1x1x128xi32, #tpu.memory_space<hbm>> -> memref<128xi32, #tpu.memory_space<hbm>>
        tpu.enqueue_dma source(%dma_start3A_59 : memref<128xi32, #tpu.memory_space<hbm>>) target(%arg11 : memref<128xi32, #tpu.memory_space<vmem>>) target_semaphore(%run_scoped3A_55 : memref<!tpu.dma_semaphore, #tpu.memory_space<semaphore_mem>>)
        %dma_wait3A_60 = tpu.memref_slice %arg2[%arg0, %run_scoped3A_50, %add3A_48] : memref<2x2x161792xi32, #tpu.memory_space<hbm>> -> memref<1x1x128xi32, #tpu.memory_space<hbm>>
        %dma_wait3A_61 = tpu.memref_squeeze %dma_wait3A_60 : memref<1x1x128xi32, #tpu.memory_space<hbm>> -> memref<128xi32, #tpu.memory_space<hbm>>
        %dma_wait3A_62 = tpu.memref_slice %arg2[%arg0, %run_scoped3A_50, %add3A_48] : memref<2x2x161792xi32, #tpu.memory_space<hbm>> -> memref<1x1x128xi32, #tpu.memory_space<hbm>>
        %dma_wait3A_63 = tpu.memref_squeeze %dma_wait3A_62 : memref<1x1x128xi32, #tpu.memory_space<hbm>> -> memref<128xi32, #tpu.memory_space<hbm>>
        tpu.wait_dma2 semaphore(%run_scoped3A_55 : memref<!tpu.dma_semaphore, #tpu.memory_space<semaphore_mem>>) src(%dma_wait3A_63 : memref<128xi32, #tpu.memory_space<hbm>>) dst(%arg11 : memref<128xi32, #tpu.memory_space<vmem>>)
        tpu.yield
      }) : () -> ()
      %dma_start3A = arith.constant 0 : i32
      %dma_start3A_51 = arith.constant 0 : i32
      %dma_start3A_52 = tpu.memref_slice %arg3[%dma_start3A, %dma_start3A_51] : memref<10000x128xf32, #tpu.memory_space<hbm>> -> memref<10000x128xf32, #tpu.memory_space<hbm>>
      tpu.enqueue_indirect_dma source(%dma_start3A_52 : memref<10000x128xf32, #tpu.memory_space<hbm>>) target(%arg12 : memref<128x128xf32, #tpu.memory_space<vmem>>) offsets(%arg10 : memref<128xi32, #tpu.memory_space<vmem>>) semaphore(%arg14 : memref<!tpu.dma_semaphore, #tpu.memory_space<semaphore_mem>>)
      %dma_wait3A = arith.constant 0 : i32
      %dma_wait3A_53 = arith.constant 0 : i32
      %dma_wait3A_54 = tpu.memref_slice %arg3[%dma_wait3A, %dma_wait3A_53] : memref<10000x128xf32, #tpu.memory_space<hbm>> -> memref<10000x128xf32, #tpu.memory_space<hbm>>
      tpu.wait_indirect_dma semaphore(%arg14 : memref<!tpu.dma_semaphore, #tpu.memory_space<semaphore_mem>>) src(%dma_wait3A_54 : memref<10000x128xf32, #tpu.memory_space<hbm>>) dst(%arg12 : memref<128x128xf32, #tpu.memory_space<vmem>>)
      "tpu.region"() ({
        %run_scoped3A_55 = tpu.sem_alloc : memref<!tpu.dma_semaphore, #tpu.memory_space<semaphore_mem>>
        %dma_start3A_56 = arith.constant 0 : i32
        %dma_start3A_57 = arith.constant 0 : i32
        %dma_start3A_58 = tpu.memref_slice %arg8[%dma_start3A_56, %dma_start3A_57] : memref<10240x128xf32, #tpu.memory_space<vmem_shared>> -> memref<10240x128xf32, #tpu.memory_space<vmem_shared>>
        tpu.enqueue_indirect_dma source(%arg12 : memref<128x128xf32, #tpu.memory_space<vmem>>) target(%dma_start3A_58 : memref<10240x128xf32, #tpu.memory_space<vmem_shared>>) offsets(%arg11 : memref<128xi32, #tpu.memory_space<vmem>>) semaphore(%run_scoped3A_55 : memref<!tpu.dma_semaphore, #tpu.memory_space<semaphore_mem>>) {add = true}
        %dma_wait3A_59 = arith.constant 0 : i32
        %dma_wait3A_60 = arith.constant 0 : i32
        %dma_wait3A_61 = tpu.memref_slice %arg8[%dma_wait3A_59, %dma_wait3A_60] : memref<10240x128xf32, #tpu.memory_space<vmem_shared>> -> memref<10240x128xf32, #tpu.memory_space<vmem_shared>>
        tpu.wait_indirect_dma semaphore(%run_scoped3A_55 : memref<!tpu.dma_semaphore, #tpu.memory_space<semaphore_mem>>) src(%arg12 : memref<128x128xf32, #tpu.memory_space<vmem>>) dst(%dma_wait3A_61 : memref<10240x128xf32, #tpu.memory_space<vmem_shared>>)
        tpu.yield
      }) : () -> ()
      "tpu.region"() ({
        %run_scoped3A_55 = tpu.sem_alloc : memref<!tpu.dma_semaphore, #tpu.memory_space<semaphore_mem>>
        %dma_start3A_56 = arith.constant 0 : i32
        %dma_start3A_57 = tpu.memref_slice %arg9[%dma_start3A_56] : memref<10240xf32, #tpu.memory_space<vmem_shared>> -> memref<10240xf32, #tpu.memory_space<vmem_shared>>
        tpu.enqueue_indirect_dma source(%arg13 : memref<128xf32, #tpu.memory_space<vmem>>) target(%dma_start3A_57 : memref<10240xf32, #tpu.memory_space<vmem_shared>>) offsets(%arg11 : memref<128xi32, #tpu.memory_space<vmem>>) semaphore(%run_scoped3A_55 : memref<!tpu.dma_semaphore, #tpu.memory_space<semaphore_mem>>) {add = true}
        %dma_wait3A_58 = arith.constant 0 : i32
        %dma_wait3A_59 = tpu.memref_slice %arg9[%dma_wait3A_58] : memref<10240xf32, #tpu.memory_space<vmem_shared>> -> memref<10240xf32, #tpu.memory_space<vmem_shared>>
        tpu.wait_indirect_dma semaphore(%run_scoped3A_55 : memref<!tpu.dma_semaphore, #tpu.memory_space<semaphore_mem>>) src(%arg13 : memref<128xf32, #tpu.memory_space<vmem>>) dst(%dma_wait3A_59 : memref<10240xf32, #tpu.memory_space<vmem_shared>>)
        tpu.yield
      }) : () -> ()
    }
    %scan3A_29 = arith.constant 79 : i32
    %barrier3A_30 = arith.constant 0 : index
    tpu.barrier barrier_id(%barrier3A_30)
    %mul3A_31 = arith.constant 640 : i32
    %mul3A_32 = arith.muli %arg1, %mul3A_31 : i32
    %mul3A_33 = arith.constant 640 : i32
    %mul3A_34 = arith.muli %arg1, %mul3A_33 : i32
    "tpu.region"() ({
      %run_scoped3A_39 = tpu.sem_alloc : memref<!tpu.dma_semaphore, #tpu.memory_space<semaphore_mem>>
      %dma_start3A = arith.constant 0 : i32
      %dma_start3A_40 = tpu.memref_slice %arg6[%arg0, %mul3A_34, %dma_start3A] : memref<2x10240x128xf32, #tpu.memory_space<hbm>> -> memref<1x640x128xf32, #tpu.memory_space<hbm>>
      %dma_start3A_41 = tpu.memref_squeeze %dma_start3A_40 : memref<1x640x128xf32, #tpu.memory_space<hbm>> -> memref<640x128xf32, #tpu.memory_space<hbm>>
      %dma_start3A_42 = arith.constant 0 : i32
      %dma_start3A_43 = tpu.memref_slice %arg8[%mul3A_32, %dma_start3A_42] : memref<10240x128xf32, #tpu.memory_space<vmem_shared>> -> memref<640x128xf32, #tpu.memory_space<vmem_shared>>
      tpu.enqueue_dma source(%dma_start3A_43 : memref<640x128xf32, #tpu.memory_space<vmem_shared>>) target(%dma_start3A_41 : memref<640x128xf32, #tpu.memory_space<hbm>>) target_semaphore(%run_scoped3A_39 : memref<!tpu.dma_semaphore, #tpu.memory_space<semaphore_mem>>)
      %dma_wait3A = arith.constant 0 : i32
      %dma_wait3A_44 = tpu.memref_slice %arg6[%arg0, %mul3A_34, %dma_wait3A] : memref<2x10240x128xf32, #tpu.memory_space<hbm>> -> memref<1x640x128xf32, #tpu.memory_space<hbm>>
      %dma_wait3A_45 = tpu.memref_squeeze %dma_wait3A_44 : memref<1x640x128xf32, #tpu.memory_space<hbm>> -> memref<640x128xf32, #tpu.memory_space<hbm>>
      %dma_wait3A_46 = arith.constant 0 : i32
      %dma_wait3A_47 = tpu.memref_slice %arg8[%mul3A_32, %dma_wait3A_46] : memref<10240x128xf32, #tpu.memory_space<vmem_shared>> -> memref<640x128xf32, #tpu.memory_space<vmem_shared>>
      tpu.wait_dma2 semaphore(%run_scoped3A_39 : memref<!tpu.dma_semaphore, #tpu.memory_space<semaphore_mem>>) src(%dma_wait3A_47 : memref<640x128xf32, #tpu.memory_space<vmem_shared>>) dst(%dma_wait3A_45 : memref<640x128xf32, #tpu.memory_space<hbm>>)
      tpu.yield
    }) : () -> ()
    %mul3A_35 = arith.constant 640 : i32
    %mul3A_36 = arith.muli %arg1, %mul3A_35 : i32
    %mul3A_37 = arith.constant 640 : i32
    %mul3A_38 = arith.muli %arg1, %mul3A_37 : i32
    "tpu.region"() ({
      %run_scoped3A_39 = tpu.sem_alloc : memref<!tpu.dma_semaphore, #tpu.memory_space<semaphore_mem>>
      %dma_start3A = tpu.memref_slice %arg7[%arg0, %mul3A_38] : memref<2x10240xf32, #tpu.memory_space<hbm>> -> memref<1x640xf32, #tpu.memory_space<hbm>>
      %dma_start3A_40 = tpu.memref_squeeze %dma_start3A : memref<1x640xf32, #tpu.memory_space<hbm>> -> memref<640xf32, #tpu.memory_space<hbm>>
      %dma_start3A_41 = tpu.memref_slice %arg9[%mul3A_36] : memref<10240xf32, #tpu.memory_space<vmem_shared>> -> memref<640xf32, #tpu.memory_space<vmem_shared>>
      tpu.enqueue_dma source(%dma_start3A_41 : memref<640xf32, #tpu.memory_space<vmem_shared>>) target(%dma_start3A_40 : memref<640xf32, #tpu.memory_space<hbm>>) target_semaphore(%run_scoped3A_39 : memref<!tpu.dma_semaphore, #tpu.memory_space<semaphore_mem>>)
      %dma_wait3A = tpu.memref_slice %arg7[%arg0, %mul3A_38] : memref<2x10240xf32, #tpu.memory_space<hbm>> -> memref<1x640xf32, #tpu.memory_space<hbm>>
      %dma_wait3A_42 = tpu.memref_squeeze %dma_wait3A : memref<1x640xf32, #tpu.memory_space<hbm>> -> memref<640xf32, #tpu.memory_space<hbm>>
      %dma_wait3A_43 = tpu.memref_slice %arg9[%mul3A_36] : memref<10240xf32, #tpu.memory_space<vmem_shared>> -> memref<640xf32, #tpu.memory_space<vmem_shared>>
      tpu.wait_dma2 semaphore(%run_scoped3A_39 : memref<!tpu.dma_semaphore, #tpu.memory_space<semaphore_mem>>) src(%dma_wait3A_43 : memref<640xf32, #tpu.memory_space<vmem_shared>>) dst(%dma_wait3A_42 : memref<640xf32, #tpu.memory_space<hbm>>)
      tpu.yield
    }) : () -> ()
    return
  }
}

module attributes {stable_mosaic.version = 14 : i64} {
  func.func @_mlp_body(%arg0: i32, %arg1: memref<1000x128xf32, #tpu.memory_space<vmem>>, %arg2: memref<1x1000x128xf32, #tpu.memory_space<vmem>>, %arg3: memref<1x1000x1xf32, #tpu.memory_space<vmem>>, %arg4: memref<1x1000x128xf32, #tpu.memory_space<vmem>>, %arg5: memref<1x1000x1xf32, #tpu.memory_space<vmem>>, %arg6: memref<256x128xf32, #tpu.memory_space<vmem>>, %arg7: memref<1x128xf32, #tpu.memory_space<vmem>>, %arg8: memref<256x128xf32, #tpu.memory_space<vmem>>, %arg9: memref<1x128xf32, #tpu.memory_space<vmem>>, %arg10: memref<1000x256xf32, #tpu.memory_space<vmem>>) attributes {dimension_semantics = [#tpu.dimension_semantics<arbitrary>], iteration_bounds = array<i64: 10>, scalar_prefetch = 0 : i64, scratch_operands = 0 : i64, tpu.core_type = #tpu.core_type<tc>, window_params = [{transform_indices = @transform_0, window_bounds = array<i64: 1000, 128>}, {transform_indices = @transform_1, window_bounds = array<i64: 1, 1000, 128>}, {transform_indices = @transform_2, window_bounds = array<i64: 1, 1000, 1>}, {transform_indices = @transform_3, window_bounds = array<i64: 1, 1000, 128>}, {transform_indices = @transform_4, window_bounds = array<i64: 1, 1000, 1>}, {pipeline_mode = #tpu.pipeline_mode<synchronous>, transform_indices = @transform_5, window_bounds = array<i64: 256, 128>}, {pipeline_mode = #tpu.pipeline_mode<synchronous>, transform_indices = @transform_6, window_bounds = array<i64: 1, 128>}, {pipeline_mode = #tpu.pipeline_mode<synchronous>, transform_indices = @transform_7, window_bounds = array<i64: 256, 128>}, {pipeline_mode = #tpu.pipeline_mode<synchronous>, transform_indices = @transform_8, window_bounds = array<i64: 1, 128>}, {transform_indices = @transform_9, window_bounds = array<i64: 1000, 256>}]} {
    %get3A = arith.constant 0 : index
    %get3A_0 = arith.constant 0 : index
    %get3A_1 = vector.load %arg1[%get3A, %get3A_0] : memref<1000x128xf32, #tpu.memory_space<vmem>>, vector<1000x128xf32>
    %get3A_2 = arith.constant 0 : index
    %get3A_3 = arith.constant 0 : index
    %get3A_4 = arith.constant 0 : index
    %get3A_5 = vector.load %arg2[%get3A_2, %get3A_3, %get3A_4] : memref<1x1000x128xf32, #tpu.memory_space<vmem>>, vector<1x1000x128xf32>
    %get3A_6 = vector.shape_cast %get3A_5 : vector<1x1000x128xf32> to vector<1000x128xf32>
    %get3A_7 = arith.constant 0 : index
    %get3A_8 = arith.constant 0 : index
    %get3A_9 = arith.constant 0 : index
    %get3A_10 = vector.load %arg3[%get3A_7, %get3A_8, %get3A_9] : memref<1x1000x1xf32, #tpu.memory_space<vmem>>, vector<1x1000x1xf32>
    %get3A_11 = vector.shape_cast %get3A_10 : vector<1x1000x1xf32> to vector<1000x1xf32>
    %max3A = arith.constant 1.000000e+00 : f32
    %max3A_12 = vector.broadcast %max3A : f32 to vector<1000x1xf32>
    %max3A_13 = arith.maximumf %get3A_11, %max3A_12 : vector<1000x1xf32>
    %div3A = vector.broadcast %max3A_13 : vector<1000x1xf32> to vector<1000x128xf32>
    %div3A_14 = arith.divf %get3A_6, %div3A : vector<1000x128xf32>
    %get3A_15 = arith.constant 0 : index
    %get3A_16 = arith.constant 0 : index
    %get3A_17 = arith.constant 0 : index
    %get3A_18 = vector.load %arg4[%get3A_15, %get3A_16, %get3A_17] : memref<1x1000x128xf32, #tpu.memory_space<vmem>>, vector<1x1000x128xf32>
    %get3A_19 = vector.shape_cast %get3A_18 : vector<1x1000x128xf32> to vector<1000x128xf32>
    %get3A_20 = arith.constant 0 : index
    %get3A_21 = arith.constant 0 : index
    %get3A_22 = arith.constant 0 : index
    %get3A_23 = vector.load %arg5[%get3A_20, %get3A_21, %get3A_22] : memref<1x1000x1xf32, #tpu.memory_space<vmem>>, vector<1x1000x1xf32>
    %get3A_24 = vector.shape_cast %get3A_23 : vector<1x1000x1xf32> to vector<1000x1xf32>
    %max3A_25 = arith.constant 1.000000e+00 : f32
    %max3A_26 = vector.broadcast %max3A_25 : f32 to vector<1000x1xf32>
    %max3A_27 = arith.maximumf %get3A_24, %max3A_26 : vector<1000x1xf32>
    %div3A_28 = vector.broadcast %max3A_27 : vector<1000x1xf32> to vector<1000x128xf32>
    %div3A_29 = arith.divf %get3A_19, %div3A_28 : vector<1000x128xf32>
    %concatenate3A = tpu.concatenate %div3A_14, %get3A_1 in 1 : vector<1000x128xf32>, vector<1000x128xf32> -> vector<1000x256xf32>
    %get3A_30 = arith.constant 0 : index
    %get3A_31 = arith.constant 0 : index
    %get3A_32 = vector.load %arg6[%get3A_30, %get3A_31] : memref<256x128xf32, #tpu.memory_space<vmem>>, vector<256x128xf32>
    %dot_general3A = arith.constant dense<0.000000e+00> : vector<1000x128xf32>
    %dot_general3A_33 = tpu.matmul %concatenate3A, %get3A_32, %dot_general3A {dimension_numbers = #tpu.dot_dimension_numbers<[1], [0], [0], [1], [0, 0, 1, 1], [], []>, transpose_lhs_hint = false} : vector<1000x256xf32>, vector<256x128xf32>, vector<1000x128xf32> -> vector<1000x128xf32>
    %get3A_34 = arith.constant 0 : index
    %get3A_35 = arith.constant 0 : index
    %get3A_36 = vector.load %arg7[%get3A_34, %get3A_35] : memref<1x128xf32, #tpu.memory_space<vmem>>, vector<1x128xf32>
    %add3A = vector.broadcast %get3A_36 : vector<1x128xf32> to vector<1000x128xf32>
    %add3A_37 = arith.addf %dot_general3A_33, %add3A : vector<1000x128xf32>
    %tanh3A = math.tanh %add3A_37 : vector<1000x128xf32>
    %concatenate3A_38 = tpu.concatenate %div3A_29, %get3A_1 in 1 : vector<1000x128xf32>, vector<1000x128xf32> -> vector<1000x256xf32>
    %get3A_39 = arith.constant 0 : index
    %get3A_40 = arith.constant 0 : index
    %get3A_41 = vector.load %arg8[%get3A_39, %get3A_40] : memref<256x128xf32, #tpu.memory_space<vmem>>, vector<256x128xf32>
    %dot_general3A_42 = arith.constant dense<0.000000e+00> : vector<1000x128xf32>
    %dot_general3A_43 = tpu.matmul %concatenate3A_38, %get3A_41, %dot_general3A_42 {dimension_numbers = #tpu.dot_dimension_numbers<[1], [0], [0], [1], [0, 0, 1, 1], [], []>, transpose_lhs_hint = false} : vector<1000x256xf32>, vector<256x128xf32>, vector<1000x128xf32> -> vector<1000x128xf32>
    %get3A_44 = arith.constant 0 : index
    %get3A_45 = arith.constant 0 : index
    %get3A_46 = vector.load %arg9[%get3A_44, %get3A_45] : memref<1x128xf32, #tpu.memory_space<vmem>>, vector<1x128xf32>
    %add3A_47 = vector.broadcast %get3A_46 : vector<1x128xf32> to vector<1000x128xf32>
    %add3A_48 = arith.addf %dot_general3A_43, %add3A_47 : vector<1000x128xf32>
    %tanh3A_49 = math.tanh %add3A_48 : vector<1000x128xf32>
    %concatenate3A_50 = tpu.concatenate %tanh3A, %tanh3A_49 in 1 : vector<1000x128xf32>, vector<1000x128xf32> -> vector<1000x256xf32>
    %swap3A = arith.constant 0 : index
    %swap3A_51 = arith.constant 0 : index
    %swap3A_52 = vector.load %arg10[%swap3A, %swap3A_51] : memref<1000x256xf32, #tpu.memory_space<vmem>>, vector<1000x256xf32>
    tpu.vector_store %arg10[%swap3A, %swap3A_51], %concatenate3A_50 {strides = array<i32>} : memref<1000x256xf32, #tpu.memory_space<vmem>>, vector<1000x256xf32>,
    return
  }
  func.func @transform_0(%arg0: i32) -> (i32, i32) {
    %c0_i32 = arith.constant 0 : i32
    %c0_i32_0 = arith.constant 0 : i32
    return %arg0, %c0_i32 : i32, i32
  }
  func.func @transform_1(%arg0: i32) -> (i32, i32, i32) {
    %c0_i32 = arith.constant 0 : i32
    %c0_i32_0 = arith.constant 0 : i32
    %c0_i32_1 = arith.constant 0 : i32
    return %c0_i32, %arg0, %c0_i32_0 : i32, i32, i32
  }
  func.func @transform_2(%arg0: i32) -> (i32, i32, i32) {
    %c0_i32 = arith.constant 0 : i32
    %c0_i32_0 = arith.constant 0 : i32
    %c0_i32_1 = arith.constant 0 : i32
    return %c0_i32, %arg0, %c0_i32_0 : i32, i32, i32
  }
  func.func @transform_3(%arg0: i32) -> (i32, i32, i32) {
    %c1_i32 = arith.constant 1 : i32
    %c0_i32 = arith.constant 0 : i32
    %c0_i32_0 = arith.constant 0 : i32
    return %c1_i32, %arg0, %c0_i32 : i32, i32, i32
  }
  func.func @transform_4(%arg0: i32) -> (i32, i32, i32) {
    %c1_i32 = arith.constant 1 : i32
    %c0_i32 = arith.constant 0 : i32
    %c0_i32_0 = arith.constant 0 : i32
    return %c1_i32, %arg0, %c0_i32 : i32, i32, i32
  }
  func.func @transform_5(%arg0: i32) -> (i32, i32) {
    %c0_i32 = arith.constant 0 : i32
    %c0_i32_0 = arith.constant 0 : i32
    %c0_i32_1 = arith.constant 0 : i32
    return %c0_i32, %c0_i32_0 : i32, i32
  }
  func.func @transform_6(%arg0: i32) -> (i32, i32) {
    %c0_i32 = arith.constant 0 : i32
    %c0_i32_0 = arith.constant 0 : i32
    %c0_i32_1 = arith.constant 0 : i32
    return %c0_i32, %c0_i32_0 : i32, i32
  }
  func.func @transform_7(%arg0: i32) -> (i32, i32) {
    %c0_i32 = arith.constant 0 : i32
    %c0_i32_0 = arith.constant 0 : i32
    %c0_i32_1 = arith.constant 0 : i32
    return %c0_i32, %c0_i32_0 : i32, i32
  }
  func.func @transform_8(%arg0: i32) -> (i32, i32) {
    %c0_i32 = arith.constant 0 : i32
    %c0_i32_0 = arith.constant 0 : i32
    %c0_i32_1 = arith.constant 0 : i32
    return %c0_i32, %c0_i32_0 : i32, i32
  }
  func.func @transform_9(%arg0: i32) -> (i32, i32) {
    %c0_i32 = arith.constant 0 : i32
    %c0_i32_0 = arith.constant 0 : i32
    return %arg0, %c0_i32 : i32, i32
  }
}

</mosaic_0001>

<sc_bundles>
// kernel: kernel.4.cloned.1.call-start
scs
__scs_entry_jumppad:
0x0: {  	(pc) =	sbr.rel $0x88, $3  }
0x1: {  	(tag) =	ssettag $0x0;
	lr =	simm.s32 $0x1  }
0x2: {  	[smem:$0x3F9A] =	sst lr;
	_ =	strace $0xD0000000  }
0x3: {  	_ = 	snop  }
0x4: {  	_ = 	snop  }
0x5: {  	_ = 	snop  }
0x6: {  	_ = 	snop  }
0x7: {  	_ = 	snop  }
__scs_overlays_trampoline_lowered:
0x8: {  	[smem:$0x3FA9] =	sst s0  }
0x9: {  	[smem:$0x3FAA] =	sst s1  }
0xa: {  	[smem:$0x3FAB] =	sst s2  }
0xb: {  	[smem:$0x3FAC] =	sst s3  }
0xc: {  	[smem:$0x3FAD] =	sst s4  }
0xd: {  	[smem:$0x3FAE] =	sst s5  }
0xe: {  	[smem:$0x3FAF] =	sst s6  }
0xf: {  	[smem:$0x3FB0] =	sst s7  }
0x10: {  	[smem:$0x3FB1] =	sst s8  }
0x11: {  	[smem:$0x3FB2] =	sst s9;
	s0 =	simm.s32 @!p0 $0x0  }
0x12: {  	s1 =	sld [smem:$0x3F98];
	s0 =	simm.s32 @p0 $0x1  }
0x13: {  	[smem:$0x3FB3] =	sst s0;
	s0 =	simm.s32 @!p1 $0x0  }
0x14: {  	s2 =	sld [smem:$0x3F97];
	s0 =	simm.s32 @p1 $0x1  }
0x15: {  	[smem:$0x3FB4] =	sst s0;
	s0 =	simm.s32 @!p2 $0x0  }
0x16: {  	s3 =	sld [smem:$0x3FDB];
	s0 =	simm.s32 @p2 $0x1  }
0x17: {  	s4 =	simm.s32 $0x1BF5;
	[smem:$0x3FB6] =	sst s0  }
0x18: {  	s0 =	sld [smem:$0x3F99];
	_ =	swait.ge [sflag:s4], $0x0  }
0x19: {  	s7 =	sld [smem:$0x3F9A]  }
0x1a: {  	s8 =	sadd.s32 $0xFFFFE003, lr  }
0x1b: {  	s9 =	sadd.s32 $0xFFFFFEF7, lr;
	s5 =	simm.s32 $0xFFFFFFFF;
	p2 =	slt.u32 s8, $0xFFFFF086  }
0x1c: {  	p1 =	slt.u32 s9, $0xF7A;
	s5 =	simm.s32 @!p2 $0x0  }
0x1d: {  	s5 =	simm.s32 @p1 $0x1;
	p0 =	seq.s32 s7, s2  }
0x1e: {  	s7 =	smul.u32 @!p0 $0xF7A, s2;
	p2 =	seq.s32 @!p0 s5, $0x0  }
0x1f: {  	s9 =	smul.u32 $0xF7A, s1;
	s8 =	simm.s32 @!p0 $0x1BF5;
	p2 =	por !p2, p0  }
0x20: {  	[sflag:s8] =	ssyncset.s32 @!p0 $0xFFFFF086;
	s6 =	sadd.s32 @!p0 s3, s7;
	s7 =	simm.s32 @!p0 $0x108  }
0x21: {  	s3 =	sadd.s32 s3, s9;
	s6 =	sadd.s32 @!p0 $0x88, s6;
	s7 =	simm.s32 @p2 $0x1082  }
0x22: {  	[simem:s7], [sflag:s8] =	dma.local @!p0 [hbm:s6], $0xF7A  }
0x23: {  	s9 =	sor.u32 $0xD0000000, s2;
	s6 =	simm.s32 $0x108;
	_ =	swait.ge @!p0 [sflag:s8], $0x0  }
0x24: {  	s3 =	sadd.s32 $0x88, s3;
	s6 =	simm.s32 @!p1 $0x1082;
	[sflag:s4] =	ssyncset.s32 $0xFFFFF086  }
0x25: {  	[simem:s6], [sflag:s4] =	dma.local [hbm:s3], $0xF7A  }
0x26: {  	[smem:$0x3F9A] =	sst s1;
	(tag) =	ssettag s2;
	_ =	strace s9  }
0x27: {  	s1 =	sld [smem:$0x3FAA]  }
0x28: {  	s2 =	sld [smem:$0x3FAB]  }
0x29: {  	s4 =	sld [smem:$0x3FAD]  }
0x2a: {  	p0 =	seq.s32 s5, $0x0;
	s5 =	sld [smem:$0x3FAE]  }
0x2b: {  	s6 =	sld [smem:$0x3FAF]  }
0x2c: {  	s7 =	sld [smem:$0x3FB0]  }
0x2d: {  	s3 =	simm.s32 $0x108;
	s8 =	sld [smem:$0x3FB1]  }
0x2e: {  	s3 =	simm.s32 @!p0 $0x1082;
	s9 =	sld [smem:$0x3FB2]  }
0x2f: {  	lr =	sadd.s32 s0, s3;
	s0 =	sld [smem:$0x3FA9]  }
0x30: {  	s3 =	sld [smem:$0x3FAC]  }
0x31: {  	[smem:$0x3FB5] =	sst s10  }
0x32: {  	s10 =	sld [smem:$0x3FB3];
	_ =	sdelay $0x3  }
0x33: {  	p0 =	seq.s32 s10, $0x1;
	s10 =	sld [smem:$0x3FB5];
	_ =	sdelay $0x3  }
0x34: {  	[smem:$0x3FB5] =	sst s10  }
0x35: {  	s10 =	sld [smem:$0x3FB4];
	_ =	sdelay $0x3  }
0x36: {  	p1 =	seq.s32 s10, $0x1;
	s10 =	sld [smem:$0x3FB5];
	_ =	sdelay $0x3  }
0x37: {  	[smem:$0x3FB5] =	sst s10  }
0x38: {  	s10 =	sld [smem:$0x3FB6]  }
0x39: {  	_ = 	snop;
	(pc) =	sbr.ind lr, $3  }
0x3a: {  	_ = 	snop  }
0x3b: {  	_ = 	snop  }
0x3c: {  	p2 =	seq.s32 s10, $0x1;
	s10 =	sld [smem:$0x3FB5]  }
0x3d: {  	_ =	shalt  }
0x3e: {  	_ =	shalt  }
0x3f: {  	_ =	shalt  }
0x40: {  	_ =	shalt  }
0x41: {  	_ =	shalt  }
0x42: {  	_ =	shalt  }
0x43: {  	_ =	shalt  }
0x44: {  	_ =	shalt  }
0x45: {  	_ =	shalt  }
0x46: {  	_ =	shalt  }
0x47: {  	_ =	shalt  }
0x48: {  	_ =	shalt  }
0x49: {  	_ =	shalt  }
0x4a: {  	_ =	shalt  }
0x4b: {  	_ =	shalt  }
0x4c: {  	_ =	shalt  }
0x4d: {  	_ =	shalt  }
0x4e: {  	_ =	shalt  }
0x4f: {  	_ =	shalt  }
0x50: {  	_ =	shalt  }
0x51: {  	_ =	shalt  }
0x52: {  	_ =	shalt  }
0x53: {  	_ =	shalt  }
0x54: {  	_ =	shalt  }
0x55: {  	_ =	shalt  }
0x56: {  	_ =	shalt  }
0x57: {  	_ =	shalt  }
0x58: {  	_ =	shalt  }
0x59: {  	_ =	shalt  }
0x5a: {  	_ =	shalt  }
0x5b: {  	_ =	shalt  }
0x5c: {  	_ =	shalt  }
0x5d: {  	_ =	shalt  }
0x5e: {  	_ =	shalt  }
0x5f: {  	_ =	shalt  }
0x60: {  	_ =	shalt  }
0x61: {  	_ =	shalt  }
0x62: {  	_ =	shalt  }
0x63: {  	_ =	shalt  }
0x64: {  	_ =	shalt  }
0x65: {  	_ =	shalt  }
0x66: {  	_ =	shalt  }
0x67: {  	_ =	shalt  }
0x68: {  	_ =	shalt  }
0x69: {  	_ =	shalt  }
0x6a: {  	_ =	shalt  }
0x6b: {  	_ =	shalt  }
0x6c: {  	_ =	shalt  }
0x6d: {  	_ =	shalt  }
0x6e: {  	_ =	shalt  }
0x6f: {  	_ =	shalt  }
0x70: {  	_ =	shalt  }
0x71: {  	_ =	shalt  }
0x72: {  	_ =	shalt  }
0x73: {  	_ =	shalt  }
0x74: {  	_ =	shalt  }
0x75: {  	_ =	shalt  }
0x76: {  	_ =	shalt  }
0x77: {  	_ =	shalt  }
0x78: {  	_ =	shalt  }
0x79: {  	_ =	shalt  }
0x7a: {  	_ =	shalt  }
0x7b: {  	_ =	shalt  }
0x7c: {  	_ =	shalt  }
0x7d: {  	_ =	shalt  }
0x7e: {  	_ =	shalt  }
0x7f: {  	_ =	shalt  }
0x80: {  	_ =	shalt  }
0x81: {  	_ =	shalt  }
0x82: {  	_ =	shalt  }
0x83: {  	_ =	shalt  }
0x84: {  	_ =	shalt  }
0x85: {  	_ =	shalt  }
0x86: {  	_ =	shalt  }
0x87: {  	_ =	shalt  }
.Lfunc_end0:
.L_simem_size_0:
called_computation_lowered:
.L_overlay_start_0:
0x88: {  	s2 =	sld [smem:$0x3FD9]  }
0x89: {  	s3 =	sld [smem:$0x3FFE];
	_ =	sdelay $0x1  }
0x8a: {  	s1 =	srdreg.scid  }
0x8b: {  	s0 =	sand.u32 $0x1, s1  }
0x8c: {  	s17 =	sshll.u32 s0, $0xA;
	s2 =	sadd.s32 s3, s2  }
0x8d: {  	s2 =	sadd.s32 s2, s17  }
0x8e: {  	[smem:$0x3FC1] =	sst s2  }
0x8f: {  	_ = 	snop  }
0x90: {  	s2 =	sld [smem:$0x3FC9]  }
0x91: {  	s18 =	sld [smem:$0x3FD0];
	(tm) =	ssettm $0x1  }
0x92: {  	s4 =	sld [smem:$0x3FFB];
	_ =	sdelay $0x3  }
0x93: {  	_ =	strace s4  }
0x94: {  	s4 =	sld [smem:$0x3FFC];
	_ =	sdelay $0x3  }
0x95: {  	_ =	strace s4  }
0x96: {  	s4 =	sld [smem:$0x3FFD];
	_ =	sdelay $0x3  }
0x97: {  	_ =	strace s4  }
0x98: {  	_ =	strace $0x8FFFFFFF  }
0x99: {  	s19 =	sld [smem:$0x3FDB];
	_ =	sdelay $0x1  }
0x9a: {  	s5 =	simm.s32 $_scs_section_size  }
0x9b: {  	s6 =	simm.s32 $_size__tile_overlayer_lowered;
	s7 =	simm.s32 $_tile_overlayer_lowered  }
0x9c: {  	s22 =	simm.s32 $0x1BFF;
	s21 =	sshll.u32 s7, $0x1;
	s4 =	sadd.s32 s5, s19  }
0x9d: {  	s8 =	simm.s32 $0x0;
	s20 =	sshll.u32 s6, $0x1;
	s6 =	sadd.s32 s21, s4  }
0x9e: {  	[timem:s8], [sflag:s22] =	dma.local [hbm:s6], s20  }
0x9f: {  	_ =	swait.ge [sflag:s22], s20  }
0xa0: {  	s5 =	ssub.s32 $0x0, s20;
	[sflag:s22] =	ssyncset.done $0x0  }
0xa1: {  	[sflag:s22] =	ssyncadd.s32 s5;
	_ =	sdelay $0x1  }
0xa2: {  	s23 =	simm.s32 $0x1B8B  }
0xa3: {  	_ =	swait.ge [sflag:s23], $0x1  }
0xa4: {  	[sflag:s23] =	ssyncset.done $0x0  }
0xa5: {  	s25 =	simm.s32 $0x1B8E;
	s24 =	sld [smem:$0x3FFE];
	[sflag:s23] =	ssyncadd.s32 $0xFFFFFFFF  }
0xa6: {  	s26 =	simm.s32 $execute0_lowered;
	[smem:$0x3FD2] =	sst s25  }
0xa7: {  	s6 =	sshll.u32 s26, $0x1;
	_ =	strace $0x80000046;
	[dreg:$0x1] =	wrdreg $0xFFFFFFFF  }
0xa8: {  	s28 =	simm.s32 $_size_execute0_lowered;
	s4 =	sadd.s32 s4, s6;
	[dreg:$0x0] =	wrdreg $0x0  }
0xa9: {  	s6 =	sshll.u32 s28, $0x1;
	[dreg:$0x2] =	wrdreg s4  }
0xaa: {  	[dreg:$0x3] =	wrdreg s6  }
0xab: {  	[dreg:$0x4] =	wrdreg $0xC0  }
0xac: {  	_ =	task [dreg:s8], $0x5FFFF  }
0xad: {  	[dreg:$0x1] =	wrdreg $0xFFFFFFFF  }
0xae: {  	[dreg:$0x0] =	wrdreg $0x60  }
0xaf: {  	[dreg:$0x2] =	wrdreg s24  }
0xb0: {  	[dreg:$0x3] =	wrdreg s2  }
0xb1: {  	[dreg:$0x4] =	wrdreg s18  }
0xb2: {  	[dreg:$0x5] =	wrdreg $0x0  }
0xb3: {  	[dreg:$0x6] =	wrdreg $0x140000  }
0xb4: {  	[dreg:$0x7] =	wrdreg $0x9  }
0xb5: {  	_ =	task.clear_ibuf [dreg:s8], $0x8FFFF;
	_ =	strace $0x90000046  }
0xb6: {  	s29 =	simm.s32 $0x9;
	_ =	strace $0x80000048  }
0xb7: {  	_ =	swait.ge [sflag:s29], $0x1  }
0xb8: {  	[sflag:s29] =	ssyncadd.s32 $0xFFFFFFFF  }
0xb9: {  	_ =	strace $0x90000048  }
0xba: {  	_ =	sfence  }
0xbb: {  	s30 =	sld [smem:$0x0];
	_ =	sdelay $0x2  }
0xbc: {  	s31 =	sshll.u32 s1, $0xD;
	s1 =	sshrl.u32 s1, $0x2  }
0xbd: {  	s3 =	sand.u32 $0x4000, s31;
	s1 =	sadd.s32 s1, s30  }
0xbe: {  	s0 =	sor.u32 s3, s0;
	s1 =	sshll.u32 s1, $0x11  }
0xbf: {  	s0 =	sor.u32 s1, s0  }
0xc0: {  	s0 =	sadd.s32 $0x8F2B, s0  }
0xc1: {  	[sflag:s0] =	ssyncadd.remote.s32 $0x1  }
0xc2: {  	_ =	sfence.sel $0xFFFF  }
0xc3: {  	[dreg:$0x0] =	wrdreg $0xFFFFFFFF;
	(pc) =	sbr.abs _section_cstart, $3  }
0xc4: {  	[dreg:$0x1] =	wrdreg $0xFFFFFFFF  }
0xc5: {  	_ =	task.clear_ibuf [dreg:s8], $0x2FFFF;
	_ =	strace $0x9FFFFFFF  }
0xc6: {  	(tm) =	ssettm $0x7FFFFFFF  }
0xc7: {  	_ =	shalt  }
tec
execute0_lowered:
.L_overlay_start_1:
0x0: {  	(tag) =	ssettag $0x1  }
0x1: {  	s3 =	rddreg [dreg:$0x0]  }
0x2: {  	s0 =	rddreg [dreg:$0x1]  }
0x3: {  	s2 =	rddreg [dreg:$0x2]  }
0x4: {  	s1 =	srdreg.scid;
	s23 =	stileid.u32  }
0x5: {  	s4 =	rddreg [dreg:$0x3];
	s9 =	smul.u32 $0x4F00, s23  }
0x6: {  	s5 =	rddreg [dreg:$0x4];
	s24 =	smul.u32 $0x14000, s23  }
0x7: {  	s6 =	simm.s32 $0x0;
	s22 =	simm.s32 $0x14280;
	s11 =	smul.u32 $0x500, s23  }
0x8: {  	s29 =	simm.s32 $0x10;
	s30 =	simm.s32 $0x0;
	s25 =	smul.u32 $0x50000, s23  }
0x9: {  	s8 =	sand.u32 $0x1, s1;
	[smem:$0x7FF] =	sst s6;
	s15 =	smul.u32 $0xA00, s23  }
0xa: {  	s28 =	sshll.u32 s23, $0x6;
	s23 =	simm.s32 $0x14300;
	s7 =	smul.u32 $0x4F000, s8  }
0xb: {  	s10 =	smul.u32 $0x140000, s8;
	s12 =	sshll.u32 s8, $0x7;
	s8 =	ssub.s32 $0x2, s8  }
0xc: {  	_ =	strace $0x80000047;
	s11 =	sor.u32 s12, s11;
	s14 =	sshrl.u32 s8, $0x1  }
0xd: {  	s12 =	sshrl.u32 s25, $0x2;
	s26 =	sshrl.u32 s24, $0x3;
	s31 =	sshrl.u32 s15, $0x2  }
0xe: {  	s15 =	simm.s32 $0x2;
	s25 =	simm.s32 $0x14380;
	s7 =	sadd.s32 s9, s7  }
0xf: {  	s10 =	sadd.s32 s24, s10;
	s11 =	sshrl.u32 s11, $0x3;
	s14 =	ssub.s32 s8, s14  }
0x10: {  	s16 =	sadd.s32 s12, s4;
	s8 =	sadd.s32 s2, s26;
	s9 =	sor.u32 $0x1C02, s28  }
0x11: {  	s17 =	sadd.s32 s31, s5;
	s24 =	simm.s32 $0x80;
	s26 =	simm.s32 $0x1  }
0x12: {  	s7 =	sshrl.u32 s7, $0x3;
	s10 =	sshrl.u32 s10, $0x3;
	s18 =	sadd.s32 $0x80, s17  }
0x13: {  	s19 =	sadd.s32 $0x100, s17;
	s20 =	sadd.s32 $0x180, s17;
	s21 =	sadd.s32 $0x200, s17  }
0x14: {  	s12 =	smax.u32 s14, $0x1;
	s14 =	sshrl.u32 s16, $0x3;
	s16 =	sshrl.u32 s17, $0x3  }
0x15: {  	s13 =	sadd.s32 s7, s3;
	s7 =	sadd.s32 $0x14800, s3;
	s10 =	sadd.s32 s10, s3  }
0x16: {  	s3 =	sadd.s32 s11, s3;
	s17 =	sshrl.u32 s18, $0x3;
	s18 =	sshrl.u32 s19, $0x3  }
0x17: {  	s19 =	sshrl.u32 s20, $0x3;
	s20 =	sshrl.u32 s21, $0x3;
	s21 =	simm.s32 $0x18380  }
0x18: {  	s10 =	sadd.s32 $0x15400, s10;
	s11 =	sadd.s32 $0x14A00, s3;
	s13 =	sadd.s32 $0xC00, s13  }
.LBB2_1:
0x19: {  	[spmem:s14], [sflag:s9] =	dma.local [hbm:s8], $0x2800  }
0x1a: {  	_ =	swait.ge [sflag:s15], $0x2800  }
0x1b: {  	[sflag:s15] =	ssyncset.done $0x0  }
0x1c: {  	[sflag:s15] =	ssyncadd.s32 $0xFFFFD800  }
0x1d: {  	[spmem:s16], [sflag:s9] =	dma.local [hbm:s2], $0x10  }
0x1e: {  	_ =	swait.ge [sflag:s15], $0x10  }
0x1f: {  	[sflag:s15] =	ssyncset.done $0x0  }
0x20: {  	[sflag:s15] =	ssyncadd.s32 $0xFFFFFFF0  }
0x21: {  	[spmem:s17], [sflag:s9] =	dma.local [hbm:s2], $0x10  }
0x22: {  	_ =	swait.ge [sflag:s15], $0x10  }
0x23: {  	[sflag:s15] =	ssyncset.done $0x0  }
0x24: {  	[sflag:s15] =	ssyncadd.s32 $0xFFFFFFF0  }
0x25: {  	[spmem:s18], [sflag:s9] =	dma.local [hbm:s2], $0x10  }
0x26: {  	_ =	swait.ge [sflag:s15], $0x10  }
0x27: {  	[sflag:s15] =	ssyncset.done $0x0  }
0x28: {  	[sflag:s15] =	ssyncadd.s32 $0xFFFFFFF0  }
0x29: {  	[spmem:s19], [sflag:s9] =	dma.local [hbm:s2], $0x10  }
0x2a: {  	_ =	swait.ge [sflag:s15], $0x10  }
0x2b: {  	[sflag:s15] =	ssyncset.done $0x0  }
0x2c: {  	[sflag:s15] =	ssyncadd.s32 $0xFFFFFFF0  }
0x2d: {  	[spmem:s20], [sflag:s9] =	dma.local [hbm:s2], $0x10  }
0x2e: {  	_ =	swait.ge [sflag:s15], $0x10  }
0x2f: {  	[sflag:s15] =	ssyncset.done $0x0  }
0x30: {  	[sflag:s15] =	ssyncadd.s32 $0xFFFFFFF0  }
0x31: {  	[tilespmem:s21], [sflag:$0x2] =	stream.linear.gather [hbm4b:s7+s6], $0x80, $0x38;
	[tilespmem:$0x18400] =	vst v63  }
0x32: {  	_ =	swait.ge [sflag:s15], $0x80  }
0x33: {  	[sflag:s15] =	ssyncset.done $0x0  }
0x34: {  	[sflag:s15] =	ssyncadd.s32 $0xFFFFFF80  }
0x35: {  	s3 =	sadd.s32 $0x0, s13;
	[bflag:$0x0] =	sbarrier.arrive $0xFFFF  }
0x36: {  	[tilespmem:s22], [sflag:$0x2] =	stream.linear.gather [hbm4b:s3+s6], $0x80, $0x38;
	[tilespmem:$0x18400] =	vst v63  }
0x37: {  	_ =	swait.ge [sflag:s15], $0x80  }
0x38: {  	[sflag:s15] =	ssyncset.done $0x0  }
0x39: {  	s3 =	sadd.s32 $0x10, s3;
	[sflag:s15] =	ssyncadd.s32 $0xFFFFFF80  }
0x3a: {  	[tilespmem:s23], [sflag:$0x2] =	stream.linear.gather [hbm4b:s3+s6], $0x80, $0x38;
	[tilespmem:$0x18400] =	vst v63  }
0x3b: {  	_ =	swait.ge [sflag:s15], $0x80  }
0x3c: {  	[sflag:s15] =	ssyncset.done $0x0  }
0x3d: {  	[sflag:s15] =	ssyncadd.s32 $0xFFFFFF80  }
0x3e: {  	[tilespmem:s25], [sflag:$0x1] =	stream.indirect.gather [hbm4b:s0+s24], $0x80, s22, s24, $0xb8;
	[tilespmem:$0x18400] =	vst v63  }
0x3f: {  	_ =	swait.ge [sflag:s26], $0x4000  }
0x40: {  	[sflag:s26] =	ssyncset.done $0x0  }
0x41: {  	[sflag:s26] =	ssyncadd.s32 $0xFFFFC000  }
0x42: {  	[spmem:s4] =	stream.indirect.scatter.add.f32 [tilespmem:s25], [sflag:$0x2], $0x80, s23, s24, $0xb8;
	[tilespmem:$0x18400] =	vst v63  }
0x43: {  	_ =	swait.ge [sflag:s15], $0x4000  }
0x44: {  	[sflag:s15] =	ssyncset.done $0x0  }
0x45: {  	[sflag:s15] =	ssyncadd.s32 $0xFFFFC000  }
0x46: {  	[spmem:s5] =	stream.indirect.scatter.add.f32 [tilespmem:s21], [sflag:$0x2], $0x1, s23, s24, $0xb8;
	[tilespmem:$0x18400] =	vst v63  }
0x47: {  	_ =	swait.ge [sflag:s15], $0x80  }
0x48: {  	s31 =	simm.s32 $0x20;
	s3 =	simm.s32 $0x40;
	[sflag:s15] =	ssyncset.done $0x0  }
.LBB2_2:
0x49: {  	s1 =	sadd.s32 s31, s13  }
0x4a: {  	[sflag:s15] =	ssyncadd.s32 $0xFFFFFF80;
	s31 =	smov.u32 s3;
	s28 =	sadd.s32 $0x20, s3  }
0x4b: {  	[tilespmem:s22], [sflag:$0x2] =	stream.linear.gather [hbm4b:s1+s6], $0x80, $0x38;
	[tilespmem:$0x18400] =	vst v63  }
0x4c: {  	p0 =	sne.s32 s3, $0x9C0;
	_ =	swait.ge [sflag:s15], $0x80  }
0x4d: {  	[sflag:s15] =	ssyncset.done $0x0  }
0x4e: {  	s1 =	sadd.s32 $0x10, s1;
	[sflag:s15] =	ssyncadd.s32 $0xFFFFFF80  }
0x4f: {  	[tilespmem:s23], [sflag:$0x2] =	stream.linear.gather [hbm4b:s1+s6], $0x80, $0x38;
	[tilespmem:$0x18400] =	vst v63  }
0x50: {  	_ =	swait.ge [sflag:s15], $0x80  }
0x51: {  	[sflag:s15] =	ssyncset.done $0x0  }
0x52: {  	[sflag:s15] =	ssyncadd.s32 $0xFFFFFF80  }
0x53: {  	[tilespmem:s25], [sflag:$0x1] =	stream.indirect.gather [hbm4b:s0+s24], $0x80, s22, s24, $0xb8;
	[tilespmem:$0x18400] =	vst v63  }
0x54: {  	_ =	swait.ge [sflag:s26], $0x4000  }
0x55: {  	[sflag:s26] =	ssyncset.done $0x0  }
0x56: {  	[sflag:s26] =	ssyncadd.s32 $0xFFFFC000  }
0x57: {  	[spmem:s4] =	stream.indirect.scatter.add.f32 [tilespmem:s25], [sflag:$0x2], $0x80, s23, s24, $0xb8;
	[tilespmem:$0x18400] =	vst v63  }
0x58: {  	_ =	swait.ge [sflag:s15], $0x4000  }
.Ltmp0:
0x59: {  	[sflag:s15] =	ssyncset.done $0x0;
	(pc) =	sbr.rel @p0 .LBB2_2-.Ltmp0, $4  }
0x5a: {  	[sflag:s15] =	ssyncadd.s32 $0xFFFFC000  }
0x5b: {  	[spmem:s5] =	stream.indirect.scatter.add.f32 [tilespmem:s21], [sflag:$0x2], $0x1, s23, s24, $0xb8;
	[tilespmem:$0x18400] =	vst v63  }
0x5c: {  	_ =	swait.ge [sflag:s15], $0x80  }
0x5d: {  	s3 =	smov.u32 s28;
	[sflag:s15] =	ssyncset.done $0x0  }
0x5e: {  	s1 =	sadd.s32 s31, s13;
	[sflag:s15] =	ssyncadd.s32 $0xFFFFFF80  }
0x5f: {  	[tilespmem:s22], [sflag:$0x2] =	stream.linear.gather [hbm4b:s1+s6], $0x80, $0x38;
	[tilespmem:$0x18400] =	vst v63  }
0x60: {  	_ =	swait.ge [sflag:s15], $0x80  }
0x61: {  	[sflag:s15] =	ssyncset.done $0x0  }
0x62: {  	s1 =	sadd.s32 $0x10, s1;
	[sflag:s15] =	ssyncadd.s32 $0xFFFFFF80  }
0x63: {  	[tilespmem:s23], [sflag:$0x2] =	stream.linear.gather [hbm4b:s1+s6], $0x80, $0x38;
	[tilespmem:$0x18400] =	vst v63  }
0x64: {  	_ =	swait.ge [sflag:s15], $0x80  }
0x65: {  	[sflag:s15] =	ssyncset.done $0x0  }
0x66: {  	[sflag:s15] =	ssyncadd.s32 $0xFFFFFF80  }
0x67: {  	[tilespmem:s25], [sflag:$0x1] =	stream.indirect.gather [hbm4b:s0+s24], $0x80, s22, s24, $0xb8;
	[tilespmem:$0x18400] =	vst v63  }
0x68: {  	_ =	swait.ge [sflag:s26], $0x4000  }
0x69: {  	[sflag:s26] =	ssyncset.done $0x0  }
0x6a: {  	[sflag:s26] =	ssyncadd.s32 $0xFFFFC000  }
0x6b: {  	[spmem:s4] =	stream.indirect.scatter.add.f32 [tilespmem:s25], [sflag:$0x2], $0x80, s23, s24, $0xb8;
	[tilespmem:$0x18400] =	vst v63  }
0x6c: {  	_ =	swait.ge [sflag:s15], $0x4000  }
0x6d: {  	[sflag:s15] =	ssyncset.done $0x0  }
0x6e: {  	[sflag:s15] =	ssyncadd.s32 $0xFFFFC000  }
0x6f: {  	[spmem:s5] =	stream.indirect.scatter.add.f32 [tilespmem:s21], [sflag:$0x2], $0x1, s23, s24, $0xb8;
	[tilespmem:$0x18400] =	vst v63  }
0x70: {  	_ =	swait.ge [sflag:s15], $0x80  }
0x71: {  	[sflag:s15] =	ssyncset.done $0x0  }
0x72: {  	[sflag:s15] =	ssyncadd.s32 $0xFFFFFF80  }
0x73: {  	[bflag:$0x0] =	sbarrier.arrive $0xFFFF  }
0x74: {  	[hbm:s10], [sflag:s9] =	dma.local [spmem:s14], $0x2800  }
0x75: {  	s30 =	sadd.s32 $0x1, s30;
	_ =	swait.ge [sflag:s15], $0x2800  }
0x76: {  	p0 =	sne.s32 s30, s12;
	[sflag:s15] =	ssyncset.done $0x0  }
.Ltmp1:
0x77: {  	s31 =	simm.s32 $0x20;
	[sflag:s15] =	ssyncadd.s32 $0xFFFFD800;
	(pc) =	sbr.rel @p0 .LBB2_1-.Ltmp1, $4  }
0x78: {  	[hbm:s11@s31], [sflag:s9] =	dma.strided [spmem:s16@s29], $0x50, s26, $0x10   }
0x79: {  	_ =	swait.ge [sflag:s15], $0x50  }
0x7a: {  	[sflag:s15] =	ssyncset.done $0x0  }
0x7b: {  	[sflag:s15] =	ssyncadd.s32 $0xFFFFFFB0  }
0x7c: {  	_ =	sfence.sel $0x180000  }
0x7d: {  	[bflag:$0x0] =	sbarrier.arrive $0xFFFF  }
0x7e: {  	_ =	strace $0x90000047  }
0x7f: {  	s0 =	stileid.u32;
	[bflag:$0x2] =	sbarrier.arrive $0xFFFF  }
0x80: {  	p0 =	sne.s32 s0, $0x0;
	s0 =	rddreg [dreg:$0x5]  }
0x81: {  	s0 =	sadd.s32 @!p0 $0x100000, s0  }
0x82: {  	[sflag:s0] =	ssyncadd.tile.s32 @!p0 $0x1;
	_ =	shalt  }
.Lfunc_end2:
_tile_overlayer_lowered:
.L_overlay_start_2:
0x83: {  	(tag) =	ssettag $0x2  }
0x84: {  	s0 =	rddreg [dreg:$0x0];
	s2 =	stileid.u32  }
0x85: {  	s1 =	rddreg [dreg:$0x1];
	p0 =	sne.s32 s2, $0x0  }
0x86: {  	s3 =	rddreg [dreg:$0x2];
	[bflag:$0x3] =	sbarrier.arrive $0xFFFF;
	s2 =	simm.s32 @!p0 $0x1C02  }
0x87: {  	[timem:s3], [sflag:s2] =	dma.local @!p0 [hbm:s0], s1  }
0x88: {  	s0 =	simm.s32 @!p0 $0x2  }
0x89: {  	_ =	swait.ge @!p0 [sflag:s0], s1  }
0x8a: {  	s1 =	ssub.s32 @!p0 $0x0, s1;
	[sflag:s0] =	ssyncset.done @!p0 $0x0  }
0x8b: {  	[sflag:s0] =	ssyncadd.s32 @!p0 s1  }
0x8c: {  	[bflag:$0x3] =	sbarrier.arrive $0xFFFF  }
0x8d: {  	_ =	shalt  }

</sc_bundles>
